<compile_context>
chip_gen: v7x
topology: tpu7x:2x2x1
jax: 0.10.2.dev20260603
libtpu: 0.0.44.dev20260713+nightly
codegen_flags: <defaults>
</compile_context>

<pallas_src>
import functools

import jax
import jax.numpy as jnp
from jax import lax
from jax.experimental import pallas as pl
from jax.experimental.pallas import tpu as pltpu
from jax.experimental.pallas import tpu_sc as plsc


def _sc_gather(X, idx_flat):
    R = idx_flat.shape[0]
    D = X.shape[1]
    info = plsc.get_sparse_core_info()
    NW = info.num_cores * info.num_subcores
    rows_per_w = R // NW
    CH = 128
    n_ch = rows_per_w // CH
    mesh = plsc.VectorSubcoreMesh(core_axis_name="c", subcore_axis_name="s")

    @functools.partial(
        pl.kernel,
        mesh=mesh,
        out_type=jax.ShapeDtypeStruct((R, D), jnp.float32),
        scratch_types=[
            pltpu.VMEM((CH,), jnp.int32),
            pltpu.VMEM((CH, D), jnp.float32),
            pltpu.SemaphoreType.DMA,
        ],
    )
    def gather_k(x_hbm, idx_hbm, out_hbm, idx_v, rows_v, sem):
        c = lax.axis_index("c")
        s = lax.axis_index("s")
        wid = s * info.num_cores + c
        base = wid * rows_per_w

        def body(i, carry):
            off = base + i * CH
            pltpu.sync_copy(idx_hbm.at[pl.ds(off, CH)], idx_v)
            pltpu.async_copy(x_hbm.at[idx_v], rows_v, sem).wait()
            pltpu.sync_copy(rows_v, out_hbm.at[pl.ds(off, CH)])
            return carry

        lax.fori_loop(0, n_ch, body, 0)

    return gather_k(X, idx_flat)


def _tc_attention(xg, W1, b1, W2v):
    E, S, D = xg.shape
    H = W1.shape[2]
    b1 = b1.reshape(E, 1, H)
    W2v = W2v.reshape(E, 1, H)

    def body(x_ref, w1_ref, b1_ref, w2_ref, z_ref, beta_ref):
        x = x_ref[0]
        hh = jnp.dot(x, w1_ref[0], preferred_element_type=jnp.float32)
        hh = hh + b1_ref[0]
        hh = jnp.where(hh >= 0, hh, 0.01 * hh)
        logits = jnp.sum(hh * w2_ref[0], axis=1)
        m = jnp.max(logits)
        e = jnp.exp(logits - m)
        beta = e / jnp.sum(e)
        beta_ref[0] = beta.reshape(1, S)
        z = jnp.dot(beta.reshape(1, S), x, preferred_element_type=jnp.float32)
        z = jnp.where(z >= 0, z, 0.01 * z)
        z_ref[0] = jnp.tanh(z)

    z, beta = pl.pallas_call(
        body,
        grid=(E,),
        in_specs=[
            pl.BlockSpec((1, S, D), lambda e: (e, 0, 0)),
            pl.BlockSpec((1, D, H), lambda e: (e, 0, 0)),
            pl.BlockSpec((1, 1, H), lambda e: (e, 0, 0)),
            pl.BlockSpec((1, 1, H), lambda e: (e, 0, 0)),
        ],
        out_specs=[
            pl.BlockSpec((1, 1, D), lambda e: (e, 0, 0)),
            pl.BlockSpec((1, 1, S), lambda e: (e, 0, 0)),
        ],
        out_shape=[
            jax.ShapeDtypeStruct((E, 1, D), jnp.float32),
            jax.ShapeDtypeStruct((E, 1, S), jnp.float32),
        ],
    )(xg, W1, b1, W2v)
    return z.reshape(E, D), beta.reshape(E, S)


def kernel(X, hyperedge_index, W1, b1, W2, b2):
    E, S = hyperedge_index.shape
    D = X.shape[1]
    idx_flat = hyperedge_index.reshape(-1).astype(jnp.int32)
    xg = _sc_gather(X, idx_flat).reshape(E, S, D)
    z, beta = _tc_attention(xg, W1, b1, W2[..., 0])
    return z, beta[..., None]

# --- scband reference (transcript-rebuilt; emitter-appended) ---
"""Pipeline reference for scband-attention-31241592111555 (READ-ONLY COPY).

The authoritative reference and input builder live on the scoring server;
editing this copy changes nothing except your own understanding.
"""

import jax, jax.numpy as jnp
import numpy as np

N, D, H, E, S = 100000, 128, 16, 64, 1024

def setup_inputs(seed: int = 0) -> dict:
    key = jax.random.key(seed)
    ks = jax.random.split(key, 5)
    X = jax.random.normal(ks[0], (N, D), dtype=jnp.float32)
    hyperedge_index = jax.random.randint(ks[1], (E, S), 0, N)
    # per-hyperedge projection MLP params (nn.Linear weights/biases, stacked over E)
    W1 = jax.random.normal(ks[2], (E, D, H), dtype=jnp.float32) * (1.0 / np.sqrt(D))
    b1 = jnp.zeros((E, H), dtype=jnp.float32)
    W2 = jax.random.normal(ks[3], (E, H, 1), dtype=jnp.float32) * (1.0 / np.sqrt(H))
    b2 = jnp.zeros((E, 1), dtype=jnp.float32)
    return {"X": X, "hyperedge_index": hyperedge_index, "W1": W1, "b1": b1, "W2": W2, "b2": b2}

def reference(X, hyperedge_index, W1, b1, W2, b2):
    # gather member-node features for every hyperedge: [E, S, D]
    x_he = jnp.take(X, hyperedge_index, axis=0)
    # projection: linear1 -> leaky_relu -> linear2, with per-hyperedge weights
    hh = jnp.einsum('esd,edh->esh', x_he, W1) + b1[:, None, :]
    hh = jax.nn.leaky_relu(hh, negative_slope=0.01)
    w = jnp.einsum('esh,eho->eso', hh, W2) + b2[:, None, :]  # [E, S, 1]
    # softmax over the nodes within each hyperedge (dim=0 per edge in torch == axis=1 here)
    beta = jax.nn.softmax(w, axis=1)
    # attention-weighted sum over member nodes, then leaky_relu
    z = jnp.sum(beta * x_he, axis=1)  # [E, D]
    z = jax.nn.leaky_relu(z, negative_slope=0.01)
    return jnp.tanh(z), beta

if __name__ == "__main__":
    import jax
    _d = setup_inputs()
    print(jax.jit(kernel)(*tuple(_d.values())))

</pallas_src>

<mosaic_0001>
#map = affine_map<(d0, d1) -> (0, 0)>
#map1 = affine_map<(d0, d1) -> (0)>
module attributes {stable_mosaic.version = 14 : i64} {
  func.func @gather_k(%arg0: i32, %arg1: i32, %arg2: memref<100000x128xf32, #tpu.memory_space<hbm>>, %arg3: memref<65536xi32, #tpu.memory_space<hbm>>, %arg4: memref<65536x128xf32, #tpu.memory_space<hbm>>, %arg5: memref<128xi32, #tpu.memory_space<vmem>>, %arg6: memref<128x128xf32, #tpu.memory_space<vmem>>, %arg7: memref<!tpu.dma_semaphore, #tpu.memory_space<semaphore_mem>>) attributes {dimension_semantics = [#tpu.dimension_semantics<core_parallel>, #tpu.dimension_semantics<subcore_parallel>], iteration_bounds = array<i64: 2, 16>, scalar_prefetch = 0 : i64, scratch_operands = 3 : i64, tpu.core_type = #tpu.core_type<sc_vector_subcore>, window_params = [{transform_indices = #map}, {transform_indices = #map1}, {transform_indices = #map}]} {
    %mul3A = arith.constant 2 : i32
    %mul3A_0 = arith.muli %arg1, %mul3A : i32
    %add3A = arith.addi %mul3A_0, %arg0 : i32
    %mul3A_1 = arith.constant 2048 : i32
    %mul3A_2 = arith.muli %add3A, %mul3A_1 : i32
    %scan3A = arith.constant 0 : i32
    %scan3A_3 = arith.constant 0 : i32
    %scan3A_4 = arith.constant 16 : i32
    %scan3A_5 = arith.addi %scan3A_3, %scan3A_4 : i32
    %scan3A_6 = arith.constant 1 : i32
    scf.for %scan3A_8 = %scan3A_3 to %scan3A_5 step %scan3A_6  : i32 {
      %mul3A_9 = arith.constant 128 : i32
      %mul3A_10 = arith.muli %scan3A_8, %mul3A_9 : i32
      %add3A_11 = arith.addi %mul3A_2, %mul3A_10 : i32
      "tpu.region"() ({
        %run_scoped3A = tpu.sem_alloc : memref<!tpu.dma_semaphore, #tpu.memory_space<semaphore_mem>>
        %dma_start3A_16 = tpu.memref_slice %arg3[%add3A_11] : memref<65536xi32, #tpu.memory_space<hbm>> -> memref<128xi32, #tpu.memory_space<hbm>>
        %dma_start3A_17 = tpu.memref_slice %arg3[%add3A_11] : memref<65536xi32, #tpu.memory_space<hbm>> -> memref<128xi32, #tpu.memory_space<hbm>>
        tpu.enqueue_dma source(%dma_start3A_17 : memref<128xi32, #tpu.memory_space<hbm>>) target(%arg5 : memref<128xi32, #tpu.memory_space<vmem>>) target_semaphore(%run_scoped3A : memref<!tpu.dma_semaphore, #tpu.memory_space<semaphore_mem>>)
        %dma_wait3A_18 = tpu.memref_slice %arg3[%add3A_11] : memref<65536xi32, #tpu.memory_space<hbm>> -> memref<128xi32, #tpu.memory_space<hbm>>
        %dma_wait3A_19 = tpu.memref_slice %arg3[%add3A_11] : memref<65536xi32, #tpu.memory_space<hbm>> -> memref<128xi32, #tpu.memory_space<hbm>>
        tpu.wait_dma2 semaphore(%run_scoped3A : memref<!tpu.dma_semaphore, #tpu.memory_space<semaphore_mem>>) src(%dma_wait3A_19 : memref<128xi32, #tpu.memory_space<hbm>>) dst(%arg5 : memref<128xi32, #tpu.memory_space<vmem>>)
        tpu.yield
      }) : () -> ()
      %dma_start3A = arith.constant 0 : i32
      %dma_start3A_12 = arith.constant 0 : i32
      %dma_start3A_13 = tpu.memref_slice %arg2[%dma_start3A, %dma_start3A_12] : memref<100000x128xf32, #tpu.memory_space<hbm>> -> memref<100000x128xf32, #tpu.memory_space<hbm>>
      tpu.enqueue_indirect_dma source(%dma_start3A_13 : memref<100000x128xf32, #tpu.memory_space<hbm>>) target(%arg6 : memref<128x128xf32, #tpu.memory_space<vmem>>) offsets(%arg5 : memref<128xi32, #tpu.memory_space<vmem>>) semaphore(%arg7 : memref<!tpu.dma_semaphore, #tpu.memory_space<semaphore_mem>>)
      %dma_wait3A = arith.constant 0 : i32
      %dma_wait3A_14 = arith.constant 0 : i32
      %dma_wait3A_15 = tpu.memref_slice %arg2[%dma_wait3A, %dma_wait3A_14] : memref<100000x128xf32, #tpu.memory_space<hbm>> -> memref<100000x128xf32, #tpu.memory_space<hbm>>
      tpu.wait_indirect_dma semaphore(%arg7 : memref<!tpu.dma_semaphore, #tpu.memory_space<semaphore_mem>>) src(%dma_wait3A_15 : memref<100000x128xf32, #tpu.memory_space<hbm>>) dst(%arg6 : memref<128x128xf32, #tpu.memory_space<vmem>>)
      "tpu.region"() ({
        %run_scoped3A = tpu.sem_alloc : memref<!tpu.dma_semaphore, #tpu.memory_space<semaphore_mem>>
        %dma_start3A_16 = arith.constant 0 : i32
        %dma_start3A_17 = tpu.memref_slice %arg4[%add3A_11, %dma_start3A_16] : memref<65536x128xf32, #tpu.memory_space<hbm>> -> memref<128x128xf32, #tpu.memory_space<hbm>>
        %dma_start3A_18 = arith.constant 0 : i32
        %dma_start3A_19 = tpu.memref_slice %arg4[%add3A_11, %dma_start3A_18] : memref<65536x128xf32, #tpu.memory_space<hbm>> -> memref<128x128xf32, #tpu.memory_space<hbm>>
        tpu.enqueue_dma source(%arg6 : memref<128x128xf32, #tpu.memory_space<vmem>>) target(%dma_start3A_19 : memref<128x128xf32, #tpu.memory_space<hbm>>) target_semaphore(%run_scoped3A : memref<!tpu.dma_semaphore, #tpu.memory_space<semaphore_mem>>)
        %dma_wait3A_20 = arith.constant 0 : i32
        %dma_wait3A_21 = tpu.memref_slice %arg4[%add3A_11, %dma_wait3A_20] : memref<65536x128xf32, #tpu.memory_space<hbm>> -> memref<128x128xf32, #tpu.memory_space<hbm>>
        %dma_wait3A_22 = arith.constant 0 : i32
        %dma_wait3A_23 = tpu.memref_slice %arg4[%add3A_11, %dma_wait3A_22] : memref<65536x128xf32, #tpu.memory_space<hbm>> -> memref<128x128xf32, #tpu.memory_space<hbm>>
        tpu.wait_dma2 semaphore(%run_scoped3A : memref<!tpu.dma_semaphore, #tpu.memory_space<semaphore_mem>>) src(%arg6 : memref<128x128xf32, #tpu.memory_space<vmem>>) dst(%dma_wait3A_23 : memref<128x128xf32, #tpu.memory_space<hbm>>)
        tpu.yield
      }) : () -> ()
    }
    %scan3A_7 = arith.constant 16 : i32
    return
  }
}

module attributes {stable_mosaic.version = 14 : i64} {
  func.func @body(%arg0: i32, %arg1: memref<1x1024x128xf32, #tpu.memory_space<vmem>>, %arg2: memref<1x128x16xf32, #tpu.memory_space<vmem>>, %arg3: memref<1x1x16xf32, #tpu.memory_space<vmem>>, %arg4: memref<1x1x16xf32, #tpu.memory_space<vmem>>, %arg5: memref<1x1x128xf32, #tpu.memory_space<vmem>>, %arg6: memref<1x1x1024xf32, #tpu.memory_space<vmem>>) attributes {dimension_semantics = [#tpu.dimension_semantics<arbitrary>], iteration_bounds = array<i64: 64>, scalar_prefetch = 0 : i64, scratch_operands = 0 : i64, tpu.core_type = #tpu.core_type<tc>, window_params = [{transform_indices = @transform_0, window_bounds = array<i64: 1, 1024, 128>}, {transform_indices = @transform_1, window_bounds = array<i64: 1, 128, 16>}, {transform_indices = @transform_2, window_bounds = array<i64: 1, 1, 16>}, {transform_indices = @transform_3, window_bounds = array<i64: 1, 1, 16>}, {transform_indices = @transform_4, window_bounds = array<i64: 1, 1, 128>}, {transform_indices = @transform_5, window_bounds = array<i64: 1, 1, 1024>}]} {
    %get3A = arith.constant 0 : index
    %get3A_0 = arith.constant 0 : index
    %get3A_1 = arith.constant 0 : index
    %get3A_2 = vector.load %arg1[%get3A, %get3A_0, %get3A_1] : memref<1x1024x128xf32, #tpu.memory_space<vmem>>, vector<1x1024x128xf32>
    %get3A_3 = vector.shape_cast %get3A_2 : vector<1x1024x128xf32> to vector<1024x128xf32>
    %get3A_4 = arith.constant 0 : index
    %get3A_5 = arith.constant 0 : index
    %get3A_6 = arith.constant 0 : index
    %get3A_7 = vector.load %arg2[%get3A_4, %get3A_5, %get3A_6] : memref<1x128x16xf32, #tpu.memory_space<vmem>>, vector<1x128x16xf32>
    %get3A_8 = vector.shape_cast %get3A_7 : vector<1x128x16xf32> to vector<128x16xf32>
    %dot_general3A = arith.constant dense<0.000000e+00> : vector<1024x16xf32>
    %dot_general3A_9 = tpu.matmul %get3A_3, %get3A_8, %dot_general3A {dimension_numbers = #tpu.dot_dimension_numbers<[1], [0], [0], [1], [0, 0, 1, 1], [], []>, transpose_lhs_hint = false} : vector<1024x128xf32>, vector<128x16xf32>, vector<1024x16xf32> -> vector<1024x16xf32>
    %get3A_10 = arith.constant 0 : index
    %get3A_11 = arith.constant 0 : index
    %get3A_12 = arith.constant 0 : index
    %get3A_13 = vector.load %arg3[%get3A_10, %get3A_11, %get3A_12] : memref<1x1x16xf32, #tpu.memory_space<vmem>>, vector<1x1x16xf32>
    %get3A_14 = vector.shape_cast %get3A_13 : vector<1x1x16xf32> to vector<1x16xf32>
    %add3A = vector.broadcast %get3A_14 : vector<1x16xf32> to vector<1024x16xf32>
    %add3A_15 = arith.addf %dot_general3A_9, %add3A : vector<1024x16xf32>
    %ge3A = arith.constant 0.000000e+00 : f32
    %ge3A_16 = vector.broadcast %ge3A : f32 to vector<1024x16xf32>
    %ge3A_17 = arith.cmpf oge, %add3A_15, %ge3A_16 : vector<1024x16xf32>
    %mul3A = arith.constant 0.00999999977 : f32
    %mul3A_18 = vector.broadcast %mul3A : f32 to vector<1024x16xf32>
    %mul3A_19 = arith.mulf %mul3A_18, %add3A_15 : vector<1024x16xf32>
    %select_n3A = arith.select %ge3A_17, %add3A_15, %mul3A_19 : vector<1024x16xi1>, vector<1024x16xf32>
    %get3A_20 = arith.constant 0 : index
    %get3A_21 = arith.constant 0 : index
    %get3A_22 = arith.constant 0 : index
    %get3A_23 = vector.load %arg4[%get3A_20, %get3A_21, %get3A_22] : memref<1x1x16xf32, #tpu.memory_space<vmem>>, vector<1x1x16xf32>
    %get3A_24 = vector.shape_cast %get3A_23 : vector<1x1x16xf32> to vector<1x16xf32>
    %mul3A_25 = vector.broadcast %get3A_24 : vector<1x16xf32> to vector<1024x16xf32>
    %mul3A_26 = arith.mulf %select_n3A, %mul3A_25 : vector<1024x16xf32>
    %reduce_sum3A = arith.constant dense<0.000000e+00> : vector<1024xf32>
    %reduce_sum3A_27 = vector.multi_reduction <add>, %mul3A_26, %reduce_sum3A [1] : vector<1024x16xf32> to vector<1024xf32>
    %reduce_max3A = vector.shape_cast %reduce_sum3A_27 : vector<1024xf32> to vector<1x1024xf32>
    %reduce_max3A_28 = arith.constant dense<0xFF800000> : vector<1xf32>
    %reduce_max3A_29 = vector.multi_reduction <maximumf>, %reduce_max3A, %reduce_max3A_28 [1] : vector<1x1024xf32> to vector<1xf32>
    %reduce_max3A_30 = vector.shape_cast %reduce_max3A_29 : vector<1xf32> to vector<1x1xf32>
    %reduce_max3A_31 = vector.extract %reduce_max3A_30[0, 0] : f32 from vector<1x1xf32>
    %sub3A = vector.broadcast %reduce_max3A_31 : f32 to vector<1024xf32>
    %sub3A_32 = arith.subf %reduce_sum3A_27, %sub3A : vector<1024xf32>
    %exp3A = math.exp %sub3A_32 : vector<1024xf32>
    %reduce_sum3A_33 = vector.shape_cast %exp3A : vector<1024xf32> to vector<1x1024xf32>
    %reduce_sum3A_34 = arith.constant dense<0.000000e+00> : vector<1xf32>
    %reduce_sum3A_35 = vector.multi_reduction <add>, %reduce_sum3A_33, %reduce_sum3A_34 [1] : vector<1x1024xf32> to vector<1xf32>
    %reduce_sum3A_36 = vector.shape_cast %reduce_sum3A_35 : vector<1xf32> to vector<1x1xf32>
    %reduce_sum3A_37 = vector.extract %reduce_sum3A_36[0, 0] : f32 from vector<1x1xf32>
    %div3A = vector.broadcast %reduce_sum3A_37 : f32 to vector<1024xf32>
    %div3A_38 = arith.divf %exp3A, %div3A : vector<1024xf32>
    %reshape3A = vector.shape_cast %div3A_38 : vector<1024xf32> to vector<1x1024xf32>
    %swap3A = arith.constant 0 : index
    %swap3A_39 = arith.constant 0 : index
    %swap3A_40 = arith.constant 0 : index
    %swap3A_41 = vector.load %arg6[%swap3A, %swap3A_39, %swap3A_40] : memref<1x1x1024xf32, #tpu.memory_space<vmem>>, vector<1x1x1024xf32>
    %swap3A_42 = vector.shape_cast %swap3A_41 : vector<1x1x1024xf32> to vector<1x1024xf32>
    %swap3A_43 = vector.shape_cast %reshape3A : vector<1x1024xf32> to vector<1x1x1024xf32>
    tpu.vector_store %arg6[%swap3A, %swap3A_39, %swap3A_40], %swap3A_43 {strides = array<i32>} : memref<1x1x1024xf32, #tpu.memory_space<vmem>>, vector<1x1x1024xf32>,
    %reshape3A_44 = vector.shape_cast %div3A_38 : vector<1024xf32> to vector<1x1024xf32>
    %dot_general3A_45 = arith.constant dense<0.000000e+00> : vector<1x128xf32>
    %dot_general3A_46 = tpu.matmul %reshape3A_44, %get3A_3, %dot_general3A_45 {dimension_numbers = #tpu.dot_dimension_numbers<[1], [0], [0], [1], [0, 0, 1, 1], [], []>, transpose_lhs_hint = false} : vector<1x1024xf32>, vector<1024x128xf32>, vector<1x128xf32> -> vector<1x128xf32>
    %ge3A_47 = arith.constant 0.000000e+00 : f32
    %ge3A_48 = vector.broadcast %ge3A_47 : f32 to vector<1x128xf32>
    %ge3A_49 = arith.cmpf oge, %dot_general3A_46, %ge3A_48 : vector<1x128xf32>
    %mul3A_50 = arith.constant 0.00999999977 : f32
    %mul3A_51 = vector.broadcast %mul3A_50 : f32 to vector<1x128xf32>
    %mul3A_52 = arith.mulf %mul3A_51, %dot_general3A_46 : vector<1x128xf32>
    %select_n3A_53 = arith.select %ge3A_49, %dot_general3A_46, %mul3A_52 : vector<1x128xi1>, vector<1x128xf32>
    %tanh3A = math.tanh %select_n3A_53 : vector<1x128xf32>
    %swap3A_54 = arith.constant 0 : index
    %swap3A_55 = arith.constant 0 : index
    %swap3A_56 = arith.constant 0 : index
    %swap3A_57 = vector.load %arg5[%swap3A_54, %swap3A_55, %swap3A_56] : memref<1x1x128xf32, #tpu.memory_space<vmem>>, vector<1x1x128xf32>
    %swap3A_58 = vector.shape_cast %swap3A_57 : vector<1x1x128xf32> to vector<1x128xf32>
    %swap3A_59 = vector.shape_cast %tanh3A : vector<1x128xf32> to vector<1x1x128xf32>
    tpu.vector_store %arg5[%swap3A_54, %swap3A_55, %swap3A_56], %swap3A_59 {strides = array<i32>} : memref<1x1x128xf32, #tpu.memory_space<vmem>>, vector<1x1x128xf32>,
    return
  }
  func.func @transform_0(%arg0: i32) -> (i32, i32, i32) {
    %c0_i32 = arith.constant 0 : i32
    %c0_i32_0 = arith.constant 0 : i32
    %c0_i32_1 = arith.constant 0 : i32
    return %arg0, %c0_i32, %c0_i32_0 : i32, i32, i32
  }
  func.func @transform_1(%arg0: i32) -> (i32, i32, i32) {
    %c0_i32 = arith.constant 0 : i32
    %c0_i32_0 = arith.constant 0 : i32
    %c0_i32_1 = arith.constant 0 : i32
    return %arg0, %c0_i32, %c0_i32_0 : i32, i32, i32
  }
  func.func @transform_2(%arg0: i32) -> (i32, i32, i32) {
    %c0_i32 = arith.constant 0 : i32
    %c0_i32_0 = arith.constant 0 : i32
    %c0_i32_1 = arith.constant 0 : i32
    return %arg0, %c0_i32, %c0_i32_0 : i32, i32, i32
  }
  func.func @transform_3(%arg0: i32) -> (i32, i32, i32) {
    %c0_i32 = arith.constant 0 : i32
    %c0_i32_0 = arith.constant 0 : i32
    %c0_i32_1 = arith.constant 0 : i32
    return %arg0, %c0_i32, %c0_i32_0 : i32, i32, i32
  }
  func.func @transform_4(%arg0: i32) -> (i32, i32, i32) {
    %c0_i32 = arith.constant 0 : i32
    %c0_i32_0 = arith.constant 0 : i32
    %c0_i32_1 = arith.constant 0 : i32
    return %arg0, %c0_i32, %c0_i32_0 : i32, i32, i32
  }
  func.func @transform_5(%arg0: i32) -> (i32, i32, i32) {
    %c0_i32 = arith.constant 0 : i32
    %c0_i32_0 = arith.constant 0 : i32
    %c0_i32_1 = arith.constant 0 : i32
    return %arg0, %c0_i32, %c0_i32_0 : i32, i32, i32
  }
}

</mosaic_0001>

<sc_bundles>
// kernel: kernel.4.cloned.1.call-start
scs
__scs_entry_jumppad:
0x0: {  	(pc) =	sbr.rel $0x88, $3  }
0x1: {  	(tag) =	ssettag $0x0;
	lr =	simm.s32 $0x1  }
0x2: {  	[smem:$0x3F9C] =	sst lr;
	_ =	strace $0xD0000000  }
0x3: {  	_ = 	snop  }
0x4: {  	_ = 	snop  }
0x5: {  	_ = 	snop  }
0x6: {  	_ = 	snop  }
0x7: {  	_ = 	snop  }
__scs_overlays_trampoline_lowered:
0x8: {  	[smem:$0x3FAB] =	sst s0  }
0x9: {  	[smem:$0x3FAC] =	sst s1  }
0xa: {  	[smem:$0x3FAD] =	sst s2  }
0xb: {  	[smem:$0x3FAE] =	sst s3  }
0xc: {  	[smem:$0x3FAF] =	sst s4  }
0xd: {  	[smem:$0x3FB0] =	sst s5  }
0xe: {  	[smem:$0x3FB1] =	sst s6  }
0xf: {  	[smem:$0x3FB2] =	sst s7  }
0x10: {  	[smem:$0x3FB3] =	sst s8  }
0x11: {  	[smem:$0x3FB4] =	sst s9;
	s0 =	simm.s32 @!p0 $0x0  }
0x12: {  	s1 =	sld [smem:$0x3F9A];
	s0 =	simm.s32 @p0 $0x1  }
0x13: {  	[smem:$0x3FB5] =	sst s0;
	s0 =	simm.s32 @!p1 $0x0  }
0x14: {  	s2 =	sld [smem:$0x3F99];
	s0 =	simm.s32 @p1 $0x1  }
0x15: {  	[smem:$0x3FB6] =	sst s0;
	s0 =	simm.s32 @!p2 $0x0  }
0x16: {  	s3 =	sld [smem:$0x3FDB];
	s0 =	simm.s32 @p2 $0x1  }
0x17: {  	s4 =	simm.s32 $0x1BF5;
	[smem:$0x3FB8] =	sst s0  }
0x18: {  	s0 =	sld [smem:$0x3F9B];
	_ =	swait.ge [sflag:s4], $0x0  }
0x19: {  	s7 =	sld [smem:$0x3F9C]  }
0x1a: {  	s8 =	sadd.s32 $0xFFFFE003, lr  }
0x1b: {  	s9 =	sadd.s32 $0xFFFFFEF7, lr;
	s5 =	simm.s32 $0xFFFFFFFF;
	p2 =	slt.u32 s8, $0xFFFFF086  }
0x1c: {  	p1 =	slt.u32 s9, $0xF7A;
	s5 =	simm.s32 @!p2 $0x0  }
0x1d: {  	s5 =	simm.s32 @p1 $0x1;
	p0 =	seq.s32 s7, s2  }
0x1e: {  	s7 =	smul.u32 @!p0 $0xF7A, s2;
	p2 =	seq.s32 @!p0 s5, $0x0  }
0x1f: {  	s9 =	smul.u32 $0xF7A, s1;
	s8 =	simm.s32 @!p0 $0x1BF5;
	p2 =	por !p2, p0  }
0x20: {  	[sflag:s8] =	ssyncset.s32 @!p0 $0xFFFFF086;
	s6 =	sadd.s32 @!p0 s3, s7;
	s7 =	simm.s32 @!p0 $0x108  }
0x21: {  	s3 =	sadd.s32 s3, s9;
	s6 =	sadd.s32 @!p0 $0x88, s6;
	s7 =	simm.s32 @p2 $0x1082  }
0x22: {  	[simem:s7], [sflag:s8] =	dma.local @!p0 [hbm:s6], $0xF7A  }
0x23: {  	s9 =	sor.u32 $0xD0000000, s2;
	s6 =	simm.s32 $0x108;
	_ =	swait.ge @!p0 [sflag:s8], $0x0  }
0x24: {  	s3 =	sadd.s32 $0x88, s3;
	s6 =	simm.s32 @!p1 $0x1082;
	[sflag:s4] =	ssyncset.s32 $0xFFFFF086  }
0x25: {  	[simem:s6], [sflag:s4] =	dma.local [hbm:s3], $0xF7A  }
0x26: {  	[smem:$0x3F9C] =	sst s1;
	(tag) =	ssettag s2;
	_ =	strace s9  }
0x27: {  	s1 =	sld [smem:$0x3FAC]  }
0x28: {  	s2 =	sld [smem:$0x3FAD]  }
0x29: {  	s4 =	sld [smem:$0x3FAF]  }
0x2a: {  	p0 =	seq.s32 s5, $0x0;
	s5 =	sld [smem:$0x3FB0]  }
0x2b: {  	s6 =	sld [smem:$0x3FB1]  }
0x2c: {  	s7 =	sld [smem:$0x3FB2]  }
0x2d: {  	s3 =	simm.s32 $0x108;
	s8 =	sld [smem:$0x3FB3]  }
0x2e: {  	s3 =	simm.s32 @!p0 $0x1082;
	s9 =	sld [smem:$0x3FB4]  }
0x2f: {  	lr =	sadd.s32 s0, s3;
	s0 =	sld [smem:$0x3FAB]  }
0x30: {  	s3 =	sld [smem:$0x3FAE]  }
0x31: {  	[smem:$0x3FB7] =	sst s10  }
0x32: {  	s10 =	sld [smem:$0x3FB5];
	_ =	sdelay $0x3  }
0x33: {  	p0 =	seq.s32 s10, $0x1;
	s10 =	sld [smem:$0x3FB7];
	_ =	sdelay $0x3  }
0x34: {  	[smem:$0x3FB7] =	sst s10  }
0x35: {  	s10 =	sld [smem:$0x3FB6];
	_ =	sdelay $0x3  }
0x36: {  	p1 =	seq.s32 s10, $0x1;
	s10 =	sld [smem:$0x3FB7];
	_ =	sdelay $0x3  }
0x37: {  	[smem:$0x3FB7] =	sst s10  }
0x38: {  	s10 =	sld [smem:$0x3FB8]  }
0x39: {  	_ = 	snop;
	(pc) =	sbr.ind lr, $3  }
0x3a: {  	_ = 	snop  }
0x3b: {  	_ = 	snop  }
0x3c: {  	p2 =	seq.s32 s10, $0x1;
	s10 =	sld [smem:$0x3FB7]  }
0x3d: {  	_ =	shalt  }
0x3e: {  	_ =	shalt  }
0x3f: {  	_ =	shalt  }
0x40: {  	_ =	shalt  }
0x41: {  	_ =	shalt  }
0x42: {  	_ =	shalt  }
0x43: {  	_ =	shalt  }
0x44: {  	_ =	shalt  }
0x45: {  	_ =	shalt  }
0x46: {  	_ =	shalt  }
0x47: {  	_ =	shalt  }
0x48: {  	_ =	shalt  }
0x49: {  	_ =	shalt  }
0x4a: {  	_ =	shalt  }
0x4b: {  	_ =	shalt  }
0x4c: {  	_ =	shalt  }
0x4d: {  	_ =	shalt  }
0x4e: {  	_ =	shalt  }
0x4f: {  	_ =	shalt  }
0x50: {  	_ =	shalt  }
0x51: {  	_ =	shalt  }
0x52: {  	_ =	shalt  }
0x53: {  	_ =	shalt  }
0x54: {  	_ =	shalt  }
0x55: {  	_ =	shalt  }
0x56: {  	_ =	shalt  }
0x57: {  	_ =	shalt  }
0x58: {  	_ =	shalt  }
0x59: {  	_ =	shalt  }
0x5a: {  	_ =	shalt  }
0x5b: {  	_ =	shalt  }
0x5c: {  	_ =	shalt  }
0x5d: {  	_ =	shalt  }
0x5e: {  	_ =	shalt  }
0x5f: {  	_ =	shalt  }
0x60: {  	_ =	shalt  }
0x61: {  	_ =	shalt  }
0x62: {  	_ =	shalt  }
0x63: {  	_ =	shalt  }
0x64: {  	_ =	shalt  }
0x65: {  	_ =	shalt  }
0x66: {  	_ =	shalt  }
0x67: {  	_ =	shalt  }
0x68: {  	_ =	shalt  }
0x69: {  	_ =	shalt  }
0x6a: {  	_ =	shalt  }
0x6b: {  	_ =	shalt  }
0x6c: {  	_ =	shalt  }
0x6d: {  	_ =	shalt  }
0x6e: {  	_ =	shalt  }
0x6f: {  	_ =	shalt  }
0x70: {  	_ =	shalt  }
0x71: {  	_ =	shalt  }
0x72: {  	_ =	shalt  }
0x73: {  	_ =	shalt  }
0x74: {  	_ =	shalt  }
0x75: {  	_ =	shalt  }
0x76: {  	_ =	shalt  }
0x77: {  	_ =	shalt  }
0x78: {  	_ =	shalt  }
0x79: {  	_ =	shalt  }
0x7a: {  	_ =	shalt  }
0x7b: {  	_ =	shalt  }
0x7c: {  	_ =	shalt  }
0x7d: {  	_ =	shalt  }
0x7e: {  	_ =	shalt  }
0x7f: {  	_ =	shalt  }
0x80: {  	_ =	shalt  }
0x81: {  	_ =	shalt  }
0x82: {  	_ =	shalt  }
0x83: {  	_ =	shalt  }
0x84: {  	_ =	shalt  }
0x85: {  	_ =	shalt  }
0x86: {  	_ =	shalt  }
0x87: {  	_ =	shalt  }
.Lfunc_end0:
.L_simem_size_0:
called_computation_lowered:
.L_overlay_start_0:
0x88: {  	s2 =	sld [smem:$0x3FD9]  }
0x89: {  	s3 =	sld [smem:$0x3FFE];
	_ =	sdelay $0x1  }
0x8a: {  	s1 =	srdreg.scid  }
0x8b: {  	s0 =	sand.u32 $0x1, s1  }
0x8c: {  	s14 =	sshll.u32 s0, $0xA;
	s2 =	sadd.s32 s3, s2  }
0x8d: {  	s2 =	sadd.s32 s2, s14  }
0x8e: {  	[smem:$0x3FC3] =	sst s2  }
0x8f: {  	_ = 	snop  }
0x90: {  	s2 =	sld [smem:$0x3FD0];
	_ =	sdelay $0x2  }
0x91: {  	s4 =	simm.s32 $0xA;
	s5 =	simm.s32 $0x10;
	s15 =	sld [smem:$0x3FC9]  }
0x92: {  	[smem:s5], [sflag:s4] =	dma.local [hbm:s2], $0x1  }
0x93: {  	_ =	swait.eq [sflag:s4], $0x1  }
0x94: {  	[sflag:s4] =	ssyncset.done $0x0  }
0x95: {  	[sflag:s4] =	ssyncadd.s32 $0xFFFFFFFF  }
0x96: {  	s16 =	sld [smem:$0x11];
	(tm) =	ssettm $0x1  }
0x97: {  	s17 =	sld [smem:$0x3FFB];
	_ =	sdelay $0x3  }
0x98: {  	_ =	strace s17  }
0x99: {  	s4 =	sld [smem:$0x3FFC];
	_ =	sdelay $0x3  }
0x9a: {  	_ =	strace s4  }
0x9b: {  	s4 =	sld [smem:$0x3FFD];
	_ =	sdelay $0x3  }
0x9c: {  	_ =	strace s4  }
0x9d: {  	_ =	strace $0x8FFFFFFF  }
0x9e: {  	s18 =	sld [smem:$0x3FDB];
	_ =	sdelay $0x1  }
0x9f: {  	s19 =	simm.s32 $_scs_section_size  }
0xa0: {  	s6 =	simm.s32 $_size__tile_overlayer_lowered;
	s7 =	simm.s32 $_tile_overlayer_lowered  }
0xa1: {  	s22 =	simm.s32 $0x1BFF;
	s21 =	sshll.u32 s7, $0x1;
	s4 =	sadd.s32 s19, s18  }
0xa2: {  	s8 =	simm.s32 $0x0;
	s20 =	sshll.u32 s6, $0x1;
	s6 =	sadd.s32 s21, s4  }
0xa3: {  	[timem:s8], [sflag:s22] =	dma.local [hbm:s6], s20  }
0xa4: {  	_ =	swait.ge [sflag:s22], s20  }
0xa5: {  	s5 =	ssub.s32 $0x0, s20;
	[sflag:s22] =	ssyncset.done $0x0  }
0xa6: {  	[sflag:s22] =	ssyncadd.s32 s5;
	_ =	sdelay $0x1  }
0xa7: {  	s23 =	simm.s32 $0x1B8B  }
0xa8: {  	_ =	swait.ge [sflag:s23], $0x1  }
0xa9: {  	[sflag:s23] =	ssyncset.done $0x0  }
0xaa: {  	s25 =	simm.s32 $0x1B8E;
	s24 =	sld [smem:$0x3FFE];
	[sflag:s23] =	ssyncadd.s32 $0xFFFFFFFF  }
0xab: {  	s26 =	simm.s32 $execute0_lowered;
	[smem:$0x3FD2] =	sst s25  }
0xac: {  	s6 =	sshll.u32 s26, $0x1;
	_ =	strace $0x80000046;
	[dreg:$0x1] =	wrdreg $0xFFFFFFFF  }
0xad: {  	s28 =	simm.s32 $_size_execute0_lowered;
	s4 =	sadd.s32 s4, s6;
	[dreg:$0x0] =	wrdreg $0x0  }
0xae: {  	s6 =	sshll.u32 s28, $0x1;
	[dreg:$0x2] =	wrdreg s4  }
0xaf: {  	[dreg:$0x3] =	wrdreg s6  }
0xb0: {  	[dreg:$0x4] =	wrdreg $0xC0  }
0xb1: {  	_ =	task [dreg:s8], $0x5FFFF  }
0xb2: {  	[dreg:$0x1] =	wrdreg $0xFFFFFFFF  }
0xb3: {  	[dreg:$0x0] =	wrdreg $0x60  }
0xb4: {  	[dreg:$0x2] =	wrdreg s15  }
0xb5: {  	[dreg:$0x3] =	wrdreg s16  }
0xb6: {  	[dreg:$0x4] =	wrdreg s24  }
0xb7: {  	[dreg:$0x5] =	wrdreg $0x9  }
0xb8: {  	_ =	task.clear_ibuf [dreg:s8], $0x6FFFF;
	_ =	strace $0x90000046  }
0xb9: {  	s29 =	simm.s32 $0x9;
	_ =	strace $0x80000048  }
0xba: {  	_ =	swait.ge [sflag:s29], $0x1  }
0xbb: {  	[sflag:s29] =	ssyncadd.s32 $0xFFFFFFFF  }
0xbc: {  	_ =	strace $0x90000048  }
0xbd: {  	_ =	sfence  }
0xbe: {  	s30 =	sld [smem:$0x0];
	_ =	sdelay $0x2  }
0xbf: {  	s31 =	sshll.u32 s1, $0xD;
	s1 =	sshrl.u32 s1, $0x2  }
0xc0: {  	s3 =	sand.u32 $0x4000, s31;
	s1 =	sadd.s32 s1, s30  }
0xc1: {  	s0 =	sor.u32 s3, s0;
	s1 =	sshll.u32 s1, $0x11  }
0xc2: {  	s0 =	sor.u32 s1, s0  }
0xc3: {  	s0 =	sadd.s32 $0x8F2B, s0  }
0xc4: {  	[sflag:s0] =	ssyncadd.remote.s32 $0x1  }
0xc5: {  	_ =	sfence.sel $0xFFFF  }
0xc6: {  	[dreg:$0x0] =	wrdreg $0xFFFFFFFF;
	(pc) =	sbr.abs _section_cstart, $3  }
0xc7: {  	[dreg:$0x1] =	wrdreg $0xFFFFFFFF  }
0xc8: {  	_ =	task.clear_ibuf [dreg:s8], $0x2FFFF;
	_ =	strace $0x9FFFFFFF  }
0xc9: {  	(tm) =	ssettm $0x7FFFFFFF  }
tec
execute0_lowered:
.L_overlay_start_1:
0x0: {  	(tag) =	ssettag $0x1  }
0x1: {  	s1 =	rddreg [dreg:$0x0]  }
0x2: {  	s6 =	rddreg [dreg:$0x1]  }
0x3: {  	s4 =	rddreg [dreg:$0x2]  }
0x4: {  	s0 =	rddreg [dreg:$0x3]  }
0x5: {  	s3 =	simm.s32 $0x0;
	s2 =	stileid.u32;
	s5 =	srdreg.scid  }
0x6: {  	[smem:$0x7FF] =	sst s3;
	s7 =	sshll.u32 s2, $0x10;
	s5 =	sand.u32 $0x1, s5  }
0x7: {  	s9 =	sshll.u32 s2, $0xC;
	_ =	strace $0x80000047;
	s7 =	sadd.s32 s7, s4  }
0x8: {  	s29 =	ssub.s32 $0x2, s5;
	s10 =	sshll.u32 s5, $0xB;
	s5 =	sshll.u32 s5, $0xF  }
0x9: {  	s8 =	sshrl.u32 s29, $0x1;
	s30 =	sor.u32 s10, s9;
	s5 =	sadd.s32 s5, s7  }
0xa: {  	s7 =	simm.s32 $0x2;
	s9 =	simm.s32 $0x1;
	s10 =	simm.s32 $0x0  }
0xb: {  	s4 =	ssub.s32 s29, s8;
	s31 =	sshrl.u32 s30, $0x3;
	s5 =	sadd.s32 $0xC00, s5  }
0xc: {  	s8 =	simm.s32 $0x80;
	s4 =	smax.u32 s4, $0x1;
	s6 =	sadd.s32 s31, s6  }
.LBB2_1:
0xd: {  	s11 =	sadd.s32 $0x0, s6  }
0xe: {  	[tilespmem:s3], [sflag:$0x2] =	stream.linear.gather [hbm4b:s11+s3], $0x80, $0x38;
	[tilespmem:$0x4080] =	vst v63  }
0xf: {  	_ =	swait.ge [sflag:s7], $0x80  }
0x10: {  	[sflag:s7] =	ssyncset.done $0x0  }
0x11: {  	[sflag:s7] =	ssyncadd.s32 $0xFFFFFF80  }
0x12: {  	[tilespmem:s8], [sflag:$0x1] =	stream.indirect.gather [hbm4b:s1+s8], $0x80, s3, s8, $0xb8;
	[tilespmem:$0x4080] =	vst v63  }
0x13: {  	_ =	swait.ge [sflag:s9], $0x4000  }
0x14: {  	[sflag:s9] =	ssyncset.done $0x0  }
0x15: {  	[sflag:s9] =	ssyncadd.s32 $0xFFFFC000  }
0x16: {  	[hbm4b:s5+s3] =	stream.linear.scatter [tilespmem:s8], [sflag:$0x2], $0x4000, $0x38;
	[tilespmem:$0x4080] =	vst v63  }
0x17: {  	s12 =	simm.s32 $0x10;
	_ =	swait.ge [sflag:s7], $0x4000  }
0x18: {  	s13 =	simm.s32 $0x20;
	s11 =	sadd.s32 $0x800, s5;
	[sflag:s7] =	ssyncset.done $0x0  }
.LBB2_2:
0x19: {  	s14 =	sadd.s32 s12, s6  }
0x1a: {  	[sflag:s7] =	ssyncadd.s32 $0xFFFFC000;
	s12 =	smov.u32 s13;
	s15 =	sadd.s32 $0x10, s13  }
0x1b: {  	[tilespmem:s3], [sflag:$0x2] =	stream.linear.gather [hbm4b:s14+s3], $0x80, $0x38;
	[tilespmem:$0x4080] =	vst v63  }
0x1c: {  	p0 =	sne.s32 s13, $0xF0;
	_ =	swait.ge [sflag:s7], $0x80  }
0x1d: {  	[sflag:s7] =	ssyncset.done $0x0  }
0x1e: {  	[sflag:s7] =	ssyncadd.s32 $0xFFFFFF80  }
0x1f: {  	[tilespmem:s8], [sflag:$0x1] =	stream.indirect.gather [hbm4b:s1+s8], $0x80, s3, s8, $0xb8;
	[tilespmem:$0x4080] =	vst v63  }
0x20: {  	_ =	swait.ge [sflag:s9], $0x4000  }
.Ltmp0:
0x21: {  	[sflag:s9] =	ssyncset.done $0x0;
	(pc) =	sbr.rel @p0 .LBB2_2-.Ltmp0, $4  }
0x22: {  	[sflag:s9] =	ssyncadd.s32 $0xFFFFC000  }
0x23: {  	[hbm4b:s11+s3] =	stream.linear.scatter [tilespmem:s8], [sflag:$0x2], $0x4000, $0x38;
	[tilespmem:$0x4080] =	vst v63  }
0x24: {  	_ =	swait.ge [sflag:s7], $0x4000  }
0x25: {  	s13 =	smov.u32 s15;
	s11 =	sadd.s32 $0x800, s11;
	[sflag:s7] =	ssyncset.done $0x0  }
0x26: {  	s12 =	sadd.s32 s12, s6;
	[sflag:s7] =	ssyncadd.s32 $0xFFFFC000  }
0x27: {  	[tilespmem:s3], [sflag:$0x2] =	stream.linear.gather [hbm4b:s12+s3], $0x80, $0x38;
	[tilespmem:$0x4080] =	vst v63  }
0x28: {  	_ =	swait.ge [sflag:s7], $0x80  }
0x29: {  	[sflag:s7] =	ssyncset.done $0x0  }
0x2a: {  	[sflag:s7] =	ssyncadd.s32 $0xFFFFFF80  }
0x2b: {  	[tilespmem:s8], [sflag:$0x1] =	stream.indirect.gather [hbm4b:s1+s8], $0x80, s3, s8, $0xb8;
	[tilespmem:$0x4080] =	vst v63  }
0x2c: {  	s10 =	sadd.s32 $0x1, s10;
	_ =	swait.ge [sflag:s9], $0x4000  }
0x2d: {  	p0 =	sne.s32 s10, s4;
	[sflag:s9] =	ssyncset.done $0x0  }
.Ltmp1:
0x2e: {  	[sflag:s9] =	ssyncadd.s32 $0xFFFFC000;
	(pc) =	sbr.rel @p0 .LBB2_1-.Ltmp1, $4  }
0x2f: {  	[hbm4b:s11+s3] =	stream.linear.scatter [tilespmem:s8], [sflag:$0x2], $0x4000, $0x38;
	[tilespmem:$0x4080] =	vst v63  }
0x30: {  	_ =	swait.ge [sflag:s7], $0x4000  }
0x31: {  	[sflag:s7] =	ssyncset.done $0x0  }
0x32: {  	[sflag:s7] =	ssyncadd.s32 $0xFFFFC000  }
0x33: {  	_ =	sfence.sel $0x180000  }
0x34: {  	[bflag:$0x0] =	sbarrier.arrive $0xFFFF  }
0x35: {  	p0 =	sne.s32 s2, $0x0;
	_ =	strace $0x90000047  }
0x36: {  	s0 =	sadd.s32 @!p0 $0x100000, s0;
	[bflag:$0x2] =	sbarrier.arrive $0xFFFF  }
0x37: {  	[sflag:s0] =	ssyncadd.tile.s32 @!p0 $0x1;
	_ =	shalt  }
.Lfunc_end2:
_tile_overlayer_lowered:
.L_overlay_start_2:
0x38: {  	(tag) =	ssettag $0x2  }
0x39: {  	s0 =	rddreg [dreg:$0x0];
	s2 =	stileid.u32  }
0x3a: {  	s1 =	rddreg [dreg:$0x1];
	p0 =	sne.s32 s2, $0x0  }
0x3b: {  	s3 =	rddreg [dreg:$0x2];
	[bflag:$0x3] =	sbarrier.arrive $0xFFFF;
	s2 =	simm.s32 @!p0 $0x1C02  }
0x3c: {  	[timem:s3], [sflag:s2] =	dma.local @!p0 [hbm:s0], s1  }
0x3d: {  	s0 =	simm.s32 @!p0 $0x2  }
0x3e: {  	_ =	swait.ge @!p0 [sflag:s0], s1  }
0x3f: {  	s1 =	ssub.s32 @!p0 $0x0, s1;
	[sflag:s0] =	ssyncset.done @!p0 $0x0  }
0x40: {  	[sflag:s0] =	ssyncadd.s32 @!p0 s1  }
0x41: {  	[bflag:$0x3] =	sbarrier.arrive $0xFFFF  }
0x42: {  	_ =	shalt  }

</sc_bundles>
